<compile_context>
chip_gen: v7x
topology: tpu7x:2x2x1
jax: 0.10.2.dev20260603
libtpu: 0.0.44.dev20260713+nightly
codegen_flags: <defaults>
</compile_context>

<pallas_src>
import jax
import jax.numpy as jnp
from jax.experimental import pallas as pl
from jax.experimental.pallas import tpu as pltpu
from jax.experimental.pallas import tpu_sc as plsc

IN_CH = 64
LATENT = 32
K = 8192
T = 1024
TH = T // 2
KB = 1024
NK = K // KB
_PREC = jax.lax.Precision.HIGHEST
_INT_MAX = 2**31 - 1


def _enc_argmin_body(x_ref, wc_ref, be_ref, emb_ref, ze_ref, idx_ref, tbl_ref,
                     z_s, bv_s, bi_s):
    j = pl.program_id(0)

    @pl.when(j == 0)
    def _():
        x = x_ref[...]
        zc1 = jnp.zeros((IN_CH, 1), jnp.float32)
        zc2 = jnp.zeros((IN_CH, 2), jnp.float32)
        x4f = jnp.concatenate([
            jnp.concatenate([zc1, x[:, :-1]], axis=1),
            x,
            jnp.concatenate([x[:, 1:], zc1], axis=1),
            jnp.concatenate([x[:, 2:], zc2], axis=1),
        ], axis=0)
        zf = jax.lax.dot_general(wc_ref[...], x4f, (((1,), (0,)), ((), ())),
                                 precision=jax.lax.Precision.DEFAULT,
                                 preferred_element_type=jnp.float32)
        ri = jax.lax.broadcasted_iota(jnp.int32, (T, TH), 0)
        ci = jax.lax.broadcasted_iota(jnp.int32, (T, TH), 1)
        dsel = jnp.where(ri == 2 * ci, 1.0, 0.0)
        z = jax.lax.dot_general(zf, dsel, (((1,), (0,)), ((), ())),
                                precision=_PREC, preferred_element_type=jnp.float32)
        z = z + be_ref[...]
        z_s[...] = z
        ze_ref[...] = z

    e = emb_ref[...]
    tbl_ref[...] = jnp.concatenate([e, jnp.zeros((KB, 128 - LATENT), jnp.float32)], axis=1)
    g = jax.lax.dot_general(e, z_s[...], (((1,), (0,)), ((), ())),
                            precision=_PREC, preferred_element_type=jnp.float32)
    en = jnp.sum(e * e, axis=1, keepdims=True)
    scores = en - 2.0 * g
    lmin = jnp.min(scores, axis=0, keepdims=True)
    rowi = jax.lax.broadcasted_iota(jnp.int32, scores.shape, 0) + j * KB
    lidx = jnp.min(jnp.where(scores == lmin, rowi, _INT_MAX), axis=0, keepdims=True)

    @pl.when(j == 0)
    def _():
        bv_s[...] = lmin
        bi_s[...] = lidx

    @pl.when(j > 0)
    def _():
        better = lmin < bv_s[...]
        bv_s[...] = jnp.where(better, lmin, bv_s[...])
        bi_s[...] = jnp.where(better, lidx, bi_s[...])

    @pl.when(j == NK - 1)
    def _():
        idx_ref[...] = bi_s[...]


_NC = 2
_NS = 16
_NW = _NC * _NS
_BPW = TH // _NW


def _sc_gather_body(tbl_hbm, idx_hbm, out_hbm, idx_v, rows_v, sem):
    wid = jax.lax.axis_index("s") * _NC + jax.lax.axis_index("c")
    base = wid * _BPW
    pltpu.sync_copy(idx_hbm.at[pl.ds(base, _BPW)], idx_v)
    pltpu.async_copy(tbl_hbm.at[idx_v], rows_v, sem).wait()
    pltpu.sync_copy(rows_v, out_hbm.at[pl.ds(base, _BPW)])


def _sc_gather(tbl, idx_flat):
    mesh = plsc.VectorSubcoreMesh(core_axis_name="c", subcore_axis_name="s")
    return pl.kernel(
        _sc_gather_body,
        out_type=jax.ShapeDtypeStruct((TH, 128), jnp.float32),
        mesh=mesh,
        scratch_types=[
            pltpu.VMEM((_BPW,), jnp.int32),
            pltpu.VMEM((_BPW, 128), jnp.float32),
            pltpu.SemaphoreType.DMA,
        ],
    )(tbl, idx_flat)


def _decode_body(rows_ref, wd_ref, bd_ref, zq_ref, ev_ref, od_ref):
    zq = jnp.transpose(rows_ref[:, :LATENT], (1, 0))
    zq_ref[...] = zq
    r = jax.lax.dot_general(wd_ref[...], zq, (((1,), (0,)), ((), ())),
                            precision=_PREC, preferred_element_type=jnp.float32)
    r0 = r[0:64, :]
    r1 = r[64:128, :]
    r2 = r[128:192, :]
    r3 = r[192:256, :]
    zpad = jnp.zeros((64, 1), jnp.float32)
    shr = jnp.concatenate([zpad, r0[:, :-1]], axis=1)
    shl = jnp.concatenate([r3[:, 1:], zpad], axis=1)
    ev_ref[...] = shr + r2 + bd_ref[...]
    od_ref[...] = r1 + shl + bd_ref[...]


def kernel(x, W_enc, b_enc, emb, W_dec, b_dec):
    Wcat = jnp.transpose(W_enc, (0, 2, 1)).reshape(LATENT, 4 * IN_CH)
    Wd2 = jnp.concatenate([W_dec[:, :, 0], W_dec[:, :, 1],
                           W_dec[:, :, 2], W_dec[:, :, 3]], axis=0)

    z_e, idx2, tbl = pl.pallas_call(
        _enc_argmin_body,
        grid=(NK,),
        in_specs=[
            pl.BlockSpec((IN_CH, T), lambda j: (0, 0)),
            pl.BlockSpec((LATENT, 4 * IN_CH), lambda j: (0, 0)),
            pl.BlockSpec((LATENT, 1), lambda j: (0, 0)),
            pl.BlockSpec((KB, LATENT), lambda j: (j, 0)),
        ],
        out_specs=[
            pl.BlockSpec((LATENT, TH), lambda j: (0, 0)),
            pl.BlockSpec((1, TH), lambda j: (0, 0)),
            pl.BlockSpec((KB, 128), lambda j: (j, 0)),
        ],
        out_shape=[
            jax.ShapeDtypeStruct((LATENT, TH), jnp.float32),
            jax.ShapeDtypeStruct((1, TH), jnp.int32),
            jax.ShapeDtypeStruct((K, 128), jnp.float32),
        ],
        scratch_shapes=[
            pltpu.VMEM((LATENT, TH), jnp.float32),
            pltpu.VMEM((1, TH), jnp.float32),
            pltpu.VMEM((1, TH), jnp.int32),
        ],
    )(x, Wcat, b_enc, emb)

    indices = idx2.reshape(TH)
    rows128 = _sc_gather(tbl, indices)

    z_q, ev, od = pl.pallas_call(
        _decode_body,
        in_specs=[
            pl.BlockSpec((TH, 128), lambda: (0, 0)),
            pl.BlockSpec((4 * IN_CH, LATENT), lambda: (0, 0)),
            pl.BlockSpec((IN_CH, 1), lambda: (0, 0)),
        ],
        out_specs=[
            pl.BlockSpec((LATENT, TH), lambda: (0, 0)),
            pl.BlockSpec((IN_CH, TH), lambda: (0, 0)),
            pl.BlockSpec((IN_CH, TH), lambda: (0, 0)),
        ],
        out_shape=[
            jax.ShapeDtypeStruct((LATENT, TH), jnp.float32),
            jax.ShapeDtypeStruct((IN_CH, TH), jnp.float32),
            jax.ShapeDtypeStruct((IN_CH, TH), jnp.float32),
        ],
    )(rows128, Wd2, b_dec)

    x_recon = jnp.stack([ev, od], axis=-1).reshape(IN_CH, T)
    return (x_recon, z_e, z_q, indices)

# --- scband reference (transcript-rebuilt; emitter-appended) ---
"""Pipeline reference for scband-totemvqvae-34961033790150 (READ-ONLY COPY).

The authoritative reference and input builder live on the scoring server;
editing this copy changes nothing except your own understanding.
"""

import jax, jax.numpy as jnp
import numpy as np

IN_CH = 64
LATENT = 32
K = 8192
T = 1024


def setup_inputs(seed: int = 0) -> dict:
    key = jax.random.key(seed)
    k1, k2, k3, k4, k5, k6 = jax.random.split(key, 6)
    x = jax.random.normal(k1, (IN_CH, T), dtype=jnp.float32)
    W_enc = jax.random.normal(k2, (LATENT, IN_CH, 4), dtype=jnp.float32) * 0.1
    b_enc = jax.random.normal(k3, (LATENT, 1), dtype=jnp.float32) * 0.01
    emb = jax.random.normal(k4, (K, LATENT), dtype=jnp.float32)
    W_dec = jax.random.normal(k5, (IN_CH, LATENT, 4), dtype=jnp.float32) * 0.1
    b_dec = jax.random.normal(k6, (IN_CH, 1), dtype=jnp.float32) * 0.01
    return {"x": x, "W_enc": W_enc, "b_enc": b_enc, "emb": emb, "W_dec": W_dec, "b_dec": b_dec}


def _encode(x, W, b):
    y = jax.lax.conv_general_dilated(x[None], W, window_strides=(2,), padding='SAME', dimension_numbers=('NCH', 'OIH', 'NCH'))[0]
    return y + b


def _decode(z, W, b):
    y = jax.lax.conv_transpose(z[None], W, strides=(2,), padding='SAME', dimension_numbers=('NCH', 'OIH', 'NCH'))[0]
    return y + b


def _quantize(z_e, emb):
    z_e_t = z_e.T
    def _dist(z):
        return jnp.sum((emb - z) ** 2, axis=-1)
    dist = jax.vmap(_dist)(z_e_t)
    indices = jnp.argmin(dist, axis=-1)
    z_q_flat = emb[indices]
    z_q = z_q_flat.T
    return z_q, indices


def reference(x, W_enc, b_enc, emb, W_dec, b_dec):
    z_e = _encode(x, W_enc, b_enc)
    z_q, indices = _quantize(z_e, emb)
    x_recon = _decode(z_q, W_dec, b_dec)
    return (x_recon, z_e, z_q, indices)

if __name__ == "__main__":
    import jax
    _d = setup_inputs()
    print(jax.jit(kernel)(*tuple(_d.values())))

</pallas_src>

<mosaic_0001>
#map = affine_map<(d0, d1) -> (0, 0)>
#map1 = affine_map<(d0, d1) -> (0)>
module attributes {stable_mosaic.version = 14 : i64} {
  func.func @_sc_gather_body(%arg0: i32, %arg1: i32, %arg2: memref<8192x128xf32, #tpu.memory_space<hbm>>, %arg3: memref<512xi32, #tpu.memory_space<hbm>>, %arg4: memref<512x128xf32, #tpu.memory_space<hbm>>, %arg5: memref<16xi32, #tpu.memory_space<vmem>>, %arg6: memref<16x128xf32, #tpu.memory_space<vmem>>, %arg7: memref<!tpu.dma_semaphore, #tpu.memory_space<semaphore_mem>>) attributes {dimension_semantics = [#tpu.dimension_semantics<core_parallel>, #tpu.dimension_semantics<subcore_parallel>], iteration_bounds = array<i64: 2, 16>, scalar_prefetch = 0 : i64, scratch_operands = 3 : i64, tpu.core_type = #tpu.core_type<sc_vector_subcore>, window_params = [{transform_indices = #map}, {transform_indices = #map1}, {transform_indices = #map}]} {
    %mul3A = arith.constant 2 : i32
    %mul3A_0 = arith.muli %arg1, %mul3A : i32
    %add3A = arith.addi %mul3A_0, %arg0 : i32
    %mul3A_1 = arith.constant 16 : i32
    %mul3A_2 = arith.muli %add3A, %mul3A_1 : i32
    "tpu.region"() ({
      %run_scoped3A = tpu.sem_alloc : memref<!tpu.dma_semaphore, #tpu.memory_space<semaphore_mem>>
      %dma_start3A_7 = tpu.memref_slice %arg3[%mul3A_2] : memref<512xi32, #tpu.memory_space<hbm>> -> memref<16xi32, #tpu.memory_space<hbm>>
      %dma_start3A_8 = tpu.memref_slice %arg3[%mul3A_2] : memref<512xi32, #tpu.memory_space<hbm>> -> memref<16xi32, #tpu.memory_space<hbm>>
      tpu.enqueue_dma source(%dma_start3A_8 : memref<16xi32, #tpu.memory_space<hbm>>) target(%arg5 : memref<16xi32, #tpu.memory_space<vmem>>) target_semaphore(%run_scoped3A : memref<!tpu.dma_semaphore, #tpu.memory_space<semaphore_mem>>)
      %dma_wait3A_9 = tpu.memref_slice %arg3[%mul3A_2] : memref<512xi32, #tpu.memory_space<hbm>> -> memref<16xi32, #tpu.memory_space<hbm>>
      %dma_wait3A_10 = tpu.memref_slice %arg3[%mul3A_2] : memref<512xi32, #tpu.memory_space<hbm>> -> memref<16xi32, #tpu.memory_space<hbm>>
      tpu.wait_dma2 semaphore(%run_scoped3A : memref<!tpu.dma_semaphore, #tpu.memory_space<semaphore_mem>>) src(%dma_wait3A_10 : memref<16xi32, #tpu.memory_space<hbm>>) dst(%arg5 : memref<16xi32, #tpu.memory_space<vmem>>)
      tpu.yield
    }) : () -> ()
    %dma_start3A = arith.constant 0 : i32
    %dma_start3A_3 = arith.constant 0 : i32
    %dma_start3A_4 = tpu.memref_slice %arg2[%dma_start3A, %dma_start3A_3] : memref<8192x128xf32, #tpu.memory_space<hbm>> -> memref<8192x128xf32, #tpu.memory_space<hbm>>
    tpu.enqueue_indirect_dma source(%dma_start3A_4 : memref<8192x128xf32, #tpu.memory_space<hbm>>) target(%arg6 : memref<16x128xf32, #tpu.memory_space<vmem>>) offsets(%arg5 : memref<16xi32, #tpu.memory_space<vmem>>) semaphore(%arg7 : memref<!tpu.dma_semaphore, #tpu.memory_space<semaphore_mem>>)
    %dma_wait3A = arith.constant 0 : i32
    %dma_wait3A_5 = arith.constant 0 : i32
    %dma_wait3A_6 = tpu.memref_slice %arg2[%dma_wait3A, %dma_wait3A_5] : memref<8192x128xf32, #tpu.memory_space<hbm>> -> memref<8192x128xf32, #tpu.memory_space<hbm>>
    tpu.wait_indirect_dma semaphore(%arg7 : memref<!tpu.dma_semaphore, #tpu.memory_space<semaphore_mem>>) src(%dma_wait3A_6 : memref<8192x128xf32, #tpu.memory_space<hbm>>) dst(%arg6 : memref<16x128xf32, #tpu.memory_space<vmem>>)
    "tpu.region"() ({
      %run_scoped3A = tpu.sem_alloc : memref<!tpu.dma_semaphore, #tpu.memory_space<semaphore_mem>>
      %dma_start3A_7 = arith.constant 0 : i32
      %dma_start3A_8 = tpu.memref_slice %arg4[%mul3A_2, %dma_start3A_7] : memref<512x128xf32, #tpu.memory_space<hbm>> -> memref<16x128xf32, #tpu.memory_space<hbm>>
      %dma_start3A_9 = arith.constant 0 : i32
      %dma_start3A_10 = tpu.memref_slice %arg4[%mul3A_2, %dma_start3A_9] : memref<512x128xf32, #tpu.memory_space<hbm>> -> memref<16x128xf32, #tpu.memory_space<hbm>>
      tpu.enqueue_dma source(%arg6 : memref<16x128xf32, #tpu.memory_space<vmem>>) target(%dma_start3A_10 : memref<16x128xf32, #tpu.memory_space<hbm>>) target_semaphore(%run_scoped3A : memref<!tpu.dma_semaphore, #tpu.memory_space<semaphore_mem>>)
      %dma_wait3A_11 = arith.constant 0 : i32
      %dma_wait3A_12 = tpu.memref_slice %arg4[%mul3A_2, %dma_wait3A_11] : memref<512x128xf32, #tpu.memory_space<hbm>> -> memref<16x128xf32, #tpu.memory_space<hbm>>
      %dma_wait3A_13 = arith.constant 0 : i32
      %dma_wait3A_14 = tpu.memref_slice %arg4[%mul3A_2, %dma_wait3A_13] : memref<512x128xf32, #tpu.memory_space<hbm>> -> memref<16x128xf32, #tpu.memory_space<hbm>>
      tpu.wait_dma2 semaphore(%run_scoped3A : memref<!tpu.dma_semaphore, #tpu.memory_space<semaphore_mem>>) src(%arg6 : memref<16x128xf32, #tpu.memory_space<vmem>>) dst(%dma_wait3A_14 : memref<16x128xf32, #tpu.memory_space<hbm>>)
      tpu.yield
    }) : () -> ()
    return
  }
}

module attributes {stable_mosaic.version = 14 : i64} {
  func.func @_enc_argmin_body(%arg0: i32, %arg1: memref<64x1024xf32, #tpu.memory_space<vmem>>, %arg2: memref<32x256xf32, #tpu.memory_space<vmem>>, %arg3: memref<32x1xf32, #tpu.memory_space<vmem>>, %arg4: memref<1024x32xf32, #tpu.memory_space<vmem>>, %arg5: memref<32x512xf32, #tpu.memory_space<vmem>>, %arg6: memref<1x512xi32, #tpu.memory_space<vmem>>, %arg7: memref<1024x128xf32, #tpu.memory_space<vmem>>, %arg8: memref<32x512xf32, #tpu.memory_space<vmem>>, %arg9: memref<1x512xf32, #tpu.memory_space<vmem>>, %arg10: memref<1x512xi32, #tpu.memory_space<vmem>>) attributes {dimension_semantics = [#tpu.dimension_semantics<arbitrary>], iteration_bounds = array<i64: 8>, scalar_prefetch = 0 : i64, scratch_operands = 3 : i64, tpu.core_type = #tpu.core_type<tc>, window_params = [{pipeline_mode = #tpu.pipeline_mode<synchronous>, transform_indices = @transform_0, window_bounds = array<i64: 64, 1024>}, {pipeline_mode = #tpu.pipeline_mode<synchronous>, transform_indices = @transform_1, window_bounds = array<i64: 32, 256>}, {pipeline_mode = #tpu.pipeline_mode<synchronous>, transform_indices = @transform_2, window_bounds = array<i64: 32, 1>}, {transform_indices = @transform_3, window_bounds = array<i64: 1024, 32>}, {pipeline_mode = #tpu.pipeline_mode<synchronous>, transform_indices = @transform_4, window_bounds = array<i64: 32, 512>}, {pipeline_mode = #tpu.pipeline_mode<synchronous>, transform_indices = @transform_5, window_bounds = array<i64: 1, 512>}, {transform_indices = @transform_6, window_bounds = array<i64: 1024, 128>}]} {
    %eq3A = arith.constant 0 : i32
    %eq3A_0 = arith.cmpi eq, %arg0, %eq3A : i32
    %convert_element_type3A = arith.extui %eq3A_0 : i1 to i32
    %cond3A = arith.constant 0 : i32
    %cond3A_1 = arith.cmpi ne, %convert_element_type3A, %cond3A : i32
    scf.if %cond3A_1 {
      %get3A_42 = arith.constant 0 : index
      %get3A_43 = arith.constant 0 : index
      %get3A_44 = vector.load %arg1[%get3A_42, %get3A_43] : memref<64x1024xf32, #tpu.memory_space<vmem>>, vector<64x1024xf32>
      %broadcast_in_dim3A_45 = arith.constant 0.000000e+00 : f32
      %broadcast_in_dim3A_46 = vector.broadcast %broadcast_in_dim3A_45 : f32 to vector<64x1xf32>
      %broadcast_in_dim3A_47 = arith.constant 0.000000e+00 : f32
      %broadcast_in_dim3A_48 = vector.broadcast %broadcast_in_dim3A_47 : f32 to vector<64x2xf32>
      %slice3A = vector.extract_strided_slice %get3A_44 {offsets = [0, 0], sizes = [64, 1023], strides = [1, 1]} : vector<64x1024xf32> to vector<64x1023xf32>
      %concatenate3A_49 = tpu.concatenate %broadcast_in_dim3A_46, %slice3A in 1 : vector<64x1xf32>, vector<64x1023xf32> -> vector<64x1024xf32>
      %slice3A_50 = vector.extract_strided_slice %get3A_44 {offsets = [0, 1], sizes = [64, 1023], strides = [1, 1]} : vector<64x1024xf32> to vector<64x1023xf32>
      %concatenate3A_51 = tpu.concatenate %slice3A_50, %broadcast_in_dim3A_46 in 1 : vector<64x1023xf32>, vector<64x1xf32> -> vector<64x1024xf32>
      %slice3A_52 = vector.extract_strided_slice %get3A_44 {offsets = [0, 2], sizes = [64, 1022], strides = [1, 1]} : vector<64x1024xf32> to vector<64x1022xf32>
      %concatenate3A_53 = tpu.concatenate %slice3A_52, %broadcast_in_dim3A_48 in 1 : vector<64x1022xf32>, vector<64x2xf32> -> vector<64x1024xf32>
      %concatenate3A_54 = tpu.concatenate %concatenate3A_49, %get3A_44, %concatenate3A_51, %concatenate3A_53 in 0 : vector<64x1024xf32>, vector<64x1024xf32>, vector<64x1024xf32>, vector<64x1024xf32> -> vector<256x1024xf32>
      %get3A_55 = arith.constant 0 : index
      %get3A_56 = arith.constant 0 : index
      %get3A_57 = vector.load %arg2[%get3A_55, %get3A_56] : memref<32x256xf32, #tpu.memory_space<vmem>>, vector<32x256xf32>
      %dot_general3A_58 = arith.constant dense<0.000000e+00> : vector<32x1024xf32>
      %dot_general3A_59 = tpu.matmul %get3A_57, %concatenate3A_54, %dot_general3A_58 {dimension_numbers = #tpu.dot_dimension_numbers<[1], [0], [0], [1], [0, 0, 1, 1], [], []>, transpose_lhs_hint = false} : vector<32x256xf32>, vector<256x1024xf32>, vector<32x1024xf32> -> vector<32x1024xf32>
      %iota3A_60 = tpu.iota {dimensions = array<i32: 0>} : vector<1024x512xi32>
      %iota3A_61 = tpu.iota {dimensions = array<i32: 1>} : vector<1024x512xi32>
      %mul3A_62 = arith.constant 2 : i32
      %mul3A_63 = vector.broadcast %mul3A_62 : i32 to vector<1024x512xi32>
      %mul3A_64 = arith.muli %mul3A_63, %iota3A_61 : vector<1024x512xi32>
      %eq3A_65 = arith.cmpi eq, %iota3A_60, %mul3A_64 : vector<1024x512xi32>
      %jit3A_66 = arith.constant 1.000000e+00 : f32
      %jit3A_67 = arith.constant 0.000000e+00 : f32
      %broadcast_in_dim3A_68 = vector.broadcast %jit3A_66 : f32 to vector<1024x512xf32>
      %broadcast_in_dim3A_69 = vector.broadcast %jit3A_67 : f32 to vector<1024x512xf32>
      %select_n3A_70 = arith.select %eq3A_65, %broadcast_in_dim3A_68, %broadcast_in_dim3A_69 : vector<1024x512xi1>, vector<1024x512xf32>
      %dot_general3A_71 = arith.constant dense<0.000000e+00> : vector<32x512xf32>
      %dot_general3A_72 = tpu.matmul %dot_general3A_59, %select_n3A_70, %dot_general3A_71 {dimension_numbers = #tpu.dot_dimension_numbers<[1], [0], [0], [1], [0, 0, 1, 1], [], []>, precision = #tpu.contract_precision<fp32>, transpose_lhs_hint = false} : vector<32x1024xf32>, vector<1024x512xf32>, vector<32x512xf32> -> vector<32x512xf32>
      %get3A_73 = arith.constant 0 : index
      %get3A_74 = arith.constant 0 : index
      %get3A_75 = vector.load %arg3[%get3A_73, %get3A_74] : memref<32x1xf32, #tpu.memory_space<vmem>>, vector<32x1xf32>
      %add3A_76 = vector.broadcast %get3A_75 : vector<32x1xf32> to vector<32x512xf32>
      %add3A_77 = arith.addf %dot_general3A_72, %add3A_76 : vector<32x512xf32>
      %swap3A_78 = arith.constant 0 : index
      %swap3A_79 = arith.constant 0 : index
      %swap3A_80 = vector.load %arg8[%swap3A_78, %swap3A_79] : memref<32x512xf32, #tpu.memory_space<vmem>>, vector<32x512xf32>
      tpu.vector_store %arg8[%swap3A_78, %swap3A_79], %add3A_77 {strides = array<i32>} : memref<32x512xf32, #tpu.memory_space<vmem>>, vector<32x512xf32>,
      %swap3A_81 = arith.constant 0 : index
      %swap3A_82 = arith.constant 0 : index
      %swap3A_83 = vector.load %arg5[%swap3A_81, %swap3A_82] : memref<32x512xf32, #tpu.memory_space<vmem>>, vector<32x512xf32>
      tpu.vector_store %arg5[%swap3A_81, %swap3A_82], %add3A_77 {strides = array<i32>} : memref<32x512xf32, #tpu.memory_space<vmem>>, vector<32x512xf32>,
    } else {
    }
    %get3A = arith.constant 0 : index
    %get3A_2 = arith.constant 0 : index
    %get3A_3 = vector.load %arg4[%get3A, %get3A_2] : memref<1024x32xf32, #tpu.memory_space<vmem>>, vector<1024x32xf32>
    %broadcast_in_dim3A = arith.constant 0.000000e+00 : f32
    %broadcast_in_dim3A_4 = vector.broadcast %broadcast_in_dim3A : f32 to vector<1024x96xf32>
    %concatenate3A = tpu.concatenate %get3A_3, %broadcast_in_dim3A_4 in 1 : vector<1024x32xf32>, vector<1024x96xf32> -> vector<1024x128xf32>
    %swap3A = arith.constant 0 : index
    %swap3A_5 = arith.constant 0 : index
    %swap3A_6 = vector.load %arg7[%swap3A, %swap3A_5] : memref<1024x128xf32, #tpu.memory_space<vmem>>, vector<1024x128xf32>
    tpu.vector_store %arg7[%swap3A, %swap3A_5], %concatenate3A {strides = array<i32>} : memref<1024x128xf32, #tpu.memory_space<vmem>>, vector<1024x128xf32>,
    %get3A_7 = arith.constant 0 : index
    %get3A_8 = arith.constant 0 : index
    %get3A_9 = vector.load %arg8[%get3A_7, %get3A_8] : memref<32x512xf32, #tpu.memory_space<vmem>>, vector<32x512xf32>
    %dot_general3A = arith.constant dense<0.000000e+00> : vector<1024x512xf32>
    %dot_general3A_10 = tpu.matmul %get3A_3, %get3A_9, %dot_general3A {dimension_numbers = #tpu.dot_dimension_numbers<[1], [0], [0], [1], [0, 0, 1, 1], [], []>, precision = #tpu.contract_precision<fp32>, transpose_lhs_hint = false} : vector<1024x32xf32>, vector<32x512xf32>, vector<1024x512xf32> -> vector<1024x512xf32>
    %mul3A = arith.mulf %get3A_3, %get3A_3 : vector<1024x32xf32>
    %reduce_sum3A = arith.constant dense<0.000000e+00> : vector<1024xf32>
    %reduce_sum3A_11 = vector.multi_reduction <add>, %mul3A, %reduce_sum3A [1] : vector<1024x32xf32> to vector<1024xf32>
    %broadcast_in_dim3A_12 = vector.shape_cast %reduce_sum3A_11 : vector<1024xf32> to vector<1024x1xf32>
    %mul3A_13 = arith.constant 2.000000e+00 : f32
    %mul3A_14 = vector.broadcast %mul3A_13 : f32 to vector<1024x512xf32>
    %mul3A_15 = arith.mulf %mul3A_14, %dot_general3A_10 : vector<1024x512xf32>
    %sub3A = vector.broadcast %broadcast_in_dim3A_12 : vector<1024x1xf32> to vector<1024x512xf32>
    %sub3A_16 = arith.subf %sub3A, %mul3A_15 : vector<1024x512xf32>
    %reduce_min3A = arith.constant dense<0x7F800000> : vector<512xf32>
    %reduce_min3A_17 = vector.multi_reduction <minimumf>, %sub3A_16, %reduce_min3A [0] : vector<1024x512xf32> to vector<512xf32>
    %broadcast_in_dim3A_18 = vector.shape_cast %reduce_min3A_17 : vector<512xf32> to vector<1x512xf32>
    %iota3A = tpu.iota {dimensions = array<i32: 0>} : vector<1024x512xi32>
    %mul3A_19 = arith.constant 1024 : i32
    %mul3A_20 = arith.muli %arg0, %mul3A_19 : i32
    %add3A = vector.broadcast %mul3A_20 : i32 to vector<1024x512xi32>
    %add3A_21 = arith.addi %iota3A, %add3A : vector<1024x512xi32>
    %eq3A_22 = vector.broadcast %broadcast_in_dim3A_18 : vector<1x512xf32> to vector<1024x512xf32>
    %eq3A_23 = arith.cmpf oeq, %sub3A_16, %eq3A_22 : vector<1024x512xf32>
    %jit3A = arith.constant 2147483647 : i32
    %broadcast_in_dim3A_24 = vector.broadcast %jit3A : i32 to vector<1024x512xi32>
    %select_n3A = arith.select %eq3A_23, %add3A_21, %broadcast_in_dim3A_24 : vector<1024x512xi1>, vector<1024x512xi32>
    %reduce_min3A_25 = arith.constant dense<2147483647> : vector<512xi32>
    %reduce_min3A_26 = vector.multi_reduction <minsi>, %select_n3A, %reduce_min3A_25 [0] : vector<1024x512xi32> to vector<512xi32>
    %broadcast_in_dim3A_27 = vector.shape_cast %reduce_min3A_26 : vector<512xi32> to vector<1x512xi32>
    %eq3A_28 = arith.constant 0 : i32
    %eq3A_29 = arith.cmpi eq, %arg0, %eq3A_28 : i32
    %convert_element_type3A_30 = arith.extui %eq3A_29 : i1 to i32
    %cond3A_31 = arith.constant 0 : i32
    %cond3A_32 = arith.cmpi ne, %convert_element_type3A_30, %cond3A_31 : i32
    scf.if %cond3A_32 {
      %swap3A_42 = arith.constant 0 : index
      %swap3A_43 = arith.constant 0 : index
      %swap3A_44 = vector.load %arg9[%swap3A_42, %swap3A_43] : memref<1x512xf32, #tpu.memory_space<vmem>>, vector<1x512xf32>
      tpu.vector_store %arg9[%swap3A_42, %swap3A_43], %broadcast_in_dim3A_18 {strides = array<i32>} : memref<1x512xf32, #tpu.memory_space<vmem>>, vector<1x512xf32>,
      %swap3A_45 = arith.constant 0 : index
      %swap3A_46 = arith.constant 0 : index
      %swap3A_47 = vector.load %arg10[%swap3A_45, %swap3A_46] : memref<1x512xi32, #tpu.memory_space<vmem>>, vector<1x512xi32>
      tpu.vector_store %arg10[%swap3A_45, %swap3A_46], %broadcast_in_dim3A_27 {strides = array<i32>} : memref<1x512xi32, #tpu.memory_space<vmem>>, vector<1x512xi32>,
    } else {
    }
    %gt3A = arith.constant 0 : i32
    %gt3A_33 = arith.cmpi sgt, %arg0, %gt3A : i32
    %convert_element_type3A_34 = arith.extui %gt3A_33 : i1 to i32
    %cond3A_35 = arith.constant 0 : i32
    %cond3A_36 = arith.cmpi ne, %convert_element_type3A_34, %cond3A_35 : i32
    scf.if %cond3A_36 {
      %get3A_42 = arith.constant 0 : index
      %get3A_43 = arith.constant 0 : index
      %get3A_44 = vector.load %arg9[%get3A_42, %get3A_43] : memref<1x512xf32, #tpu.memory_space<vmem>>, vector<1x512xf32>
      %lt3A = arith.cmpf olt, %broadcast_in_dim3A_18, %get3A_44 : vector<1x512xf32>
      %get3A_45 = arith.constant 0 : index
      %get3A_46 = arith.constant 0 : index
      %get3A_47 = vector.load %arg9[%get3A_45, %get3A_46] : memref<1x512xf32, #tpu.memory_space<vmem>>, vector<1x512xf32>
      %select_n3A_48 = arith.select %lt3A, %broadcast_in_dim3A_18, %get3A_47 : vector<1x512xi1>, vector<1x512xf32>
      %swap3A_49 = arith.constant 0 : index
      %swap3A_50 = arith.constant 0 : index
      %swap3A_51 = vector.load %arg9[%swap3A_49, %swap3A_50] : memref<1x512xf32, #tpu.memory_space<vmem>>, vector<1x512xf32>
      tpu.vector_store %arg9[%swap3A_49, %swap3A_50], %select_n3A_48 {strides = array<i32>} : memref<1x512xf32, #tpu.memory_space<vmem>>, vector<1x512xf32>,
      %get3A_52 = arith.constant 0 : index
      %get3A_53 = arith.constant 0 : index
      %get3A_54 = vector.load %arg10[%get3A_52, %get3A_53] : memref<1x512xi32, #tpu.memory_space<vmem>>, vector<1x512xi32>
      %select_n3A_55 = arith.select %lt3A, %broadcast_in_dim3A_27, %get3A_54 : vector<1x512xi1>, vector<1x512xi32>
      %swap3A_56 = arith.constant 0 : index
      %swap3A_57 = arith.constant 0 : index
      %swap3A_58 = vector.load %arg10[%swap3A_56, %swap3A_57] : memref<1x512xi32, #tpu.memory_space<vmem>>, vector<1x512xi32>
      tpu.vector_store %arg10[%swap3A_56, %swap3A_57], %select_n3A_55 {strides = array<i32>} : memref<1x512xi32, #tpu.memory_space<vmem>>, vector<1x512xi32>,
    } else {
    }
    %eq3A_37 = arith.constant 7 : i32
    %eq3A_38 = arith.cmpi eq, %arg0, %eq3A_37 : i32
    %convert_element_type3A_39 = arith.extui %eq3A_38 : i1 to i32
    %cond3A_40 = arith.constant 0 : i32
    %cond3A_41 = arith.cmpi ne, %convert_element_type3A_39, %cond3A_40 : i32
    scf.if %cond3A_41 {
      %get3A_42 = arith.constant 0 : index
      %get3A_43 = arith.constant 0 : index
      %get3A_44 = vector.load %arg10[%get3A_42, %get3A_43] : memref<1x512xi32, #tpu.memory_space<vmem>>, vector<1x512xi32>
      %swap3A_45 = arith.constant 0 : index
      %swap3A_46 = arith.constant 0 : index
      %swap3A_47 = vector.load %arg6[%swap3A_45, %swap3A_46] : memref<1x512xi32, #tpu.memory_space<vmem>>, vector<1x512xi32>
      tpu.vector_store %arg6[%swap3A_45, %swap3A_46], %get3A_44 {strides = array<i32>} : memref<1x512xi32, #tpu.memory_space<vmem>>, vector<1x512xi32>,
    } else {
    }
    return
  }
  func.func @transform_0(%arg0: i32) -> (i32, i32) {
    %c0_i32 = arith.constant 0 : i32
    %c0_i32_0 = arith.constant 0 : i32
    %c0_i32_1 = arith.constant 0 : i32
    return %c0_i32, %c0_i32_0 : i32, i32
  }
  func.func @transform_1(%arg0: i32) -> (i32, i32) {
    %c0_i32 = arith.constant 0 : i32
    %c0_i32_0 = arith.constant 0 : i32
    %c0_i32_1 = arith.constant 0 : i32
    return %c0_i32, %c0_i32_0 : i32, i32
  }
  func.func @transform_2(%arg0: i32) -> (i32, i32) {
    %c0_i32 = arith.constant 0 : i32
    %c0_i32_0 = arith.constant 0 : i32
    %c0_i32_1 = arith.constant 0 : i32
    return %c0_i32, %c0_i32_0 : i32, i32
  }
  func.func @transform_3(%arg0: i32) -> (i32, i32) {
    %c0_i32 = arith.constant 0 : i32
    %c0_i32_0 = arith.constant 0 : i32
    return %arg0, %c0_i32 : i32, i32
  }
  func.func @transform_4(%arg0: i32) -> (i32, i32) {
    %c0_i32 = arith.constant 0 : i32
    %c0_i32_0 = arith.constant 0 : i32
    %c0_i32_1 = arith.constant 0 : i32
    return %c0_i32, %c0_i32_0 : i32, i32
  }
  func.func @transform_5(%arg0: i32) -> (i32, i32) {
    %c0_i32 = arith.constant 0 : i32
    %c0_i32_0 = arith.constant 0 : i32
    %c0_i32_1 = arith.constant 0 : i32
    return %c0_i32, %c0_i32_0 : i32, i32
  }
  func.func @transform_6(%arg0: i32) -> (i32, i32) {
    %c0_i32 = arith.constant 0 : i32
    %c0_i32_0 = arith.constant 0 : i32
    return %arg0, %c0_i32 : i32, i32
  }
}

module attributes {stable_mosaic.version = 14 : i64} {
  func.func @_decode_body(%arg0: memref<512x128xf32, #tpu.memory_space<vmem>>, %arg1: memref<256x32xf32, #tpu.memory_space<vmem>>, %arg2: memref<64x1xf32, #tpu.memory_space<vmem>>, %arg3: memref<32x512xf32, #tpu.memory_space<vmem>>, %arg4: memref<64x512xf32, #tpu.memory_space<vmem>>, %arg5: memref<64x512xf32, #tpu.memory_space<vmem>>) attributes {dimension_semantics = [], scalar_prefetch = 0 : i64, scratch_operands = 0 : i64, tpu.core_type = #tpu.core_type<tc>} {
    %get3A = arith.constant 0 : index
    %get3A_0 = arith.constant 0 : index
    %get3A_1 = vector.load %arg0[%get3A, %get3A_0] : memref<512x128xf32, #tpu.memory_space<vmem>>, vector<512x32xf32>
    %transpose3A = tpu.transpose %get3A_1, [1, 0] : vector<512x32xf32> -> vector<32x512xf32>
    %swap3A = arith.constant 0 : index
    %swap3A_2 = arith.constant 0 : index
    %swap3A_3 = vector.load %arg3[%swap3A, %swap3A_2] : memref<32x512xf32, #tpu.memory_space<vmem>>, vector<32x512xf32>
    tpu.vector_store %arg3[%swap3A, %swap3A_2], %transpose3A {strides = array<i32>} : memref<32x512xf32, #tpu.memory_space<vmem>>, vector<32x512xf32>,
    %get3A_4 = arith.constant 0 : index
    %get3A_5 = arith.constant 0 : index
    %get3A_6 = vector.load %arg1[%get3A_4, %get3A_5] : memref<256x32xf32, #tpu.memory_space<vmem>>, vector<256x32xf32>
    %dot_general3A = arith.constant dense<0.000000e+00> : vector<256x512xf32>
    %dot_general3A_7 = tpu.matmul %get3A_6, %transpose3A, %dot_general3A {dimension_numbers = #tpu.dot_dimension_numbers<[1], [0], [0], [1], [0, 0, 1, 1], [], []>, precision = #tpu.contract_precision<fp32>, transpose_lhs_hint = false} : vector<256x32xf32>, vector<32x512xf32>, vector<256x512xf32> -> vector<256x512xf32>
    %slice3A = vector.extract_strided_slice %dot_general3A_7 {offsets = [0, 0], sizes = [64, 512], strides = [1, 1]} : vector<256x512xf32> to vector<64x512xf32>
    %slice3A_8 = vector.extract_strided_slice %dot_general3A_7 {offsets = [64, 0], sizes = [64, 512], strides = [1, 1]} : vector<256x512xf32> to vector<64x512xf32>
    %slice3A_9 = vector.extract_strided_slice %dot_general3A_7 {offsets = [128, 0], sizes = [64, 512], strides = [1, 1]} : vector<256x512xf32> to vector<64x512xf32>
    %slice3A_10 = vector.extract_strided_slice %dot_general3A_7 {offsets = [192, 0], sizes = [64, 512], strides = [1, 1]} : vector<256x512xf32> to vector<64x512xf32>
    %broadcast_in_dim3A = arith.constant 0.000000e+00 : f32
    %broadcast_in_dim3A_11 = vector.broadcast %broadcast_in_dim3A : f32 to vector<64x1xf32>
    %slice3A_12 = vector.extract_strided_slice %slice3A {offsets = [0, 0], sizes = [64, 511], strides = [1, 1]} : vector<64x512xf32> to vector<64x511xf32>
    %concatenate3A = tpu.concatenate %broadcast_in_dim3A_11, %slice3A_12 in 1 : vector<64x1xf32>, vector<64x511xf32> -> vector<64x512xf32>
    %slice3A_13 = vector.extract_strided_slice %slice3A_10 {offsets = [0, 1], sizes = [64, 511], strides = [1, 1]} : vector<64x512xf32> to vector<64x511xf32>
    %concatenate3A_14 = tpu.concatenate %slice3A_13, %broadcast_in_dim3A_11 in 1 : vector<64x511xf32>, vector<64x1xf32> -> vector<64x512xf32>
    %add3A = arith.addf %concatenate3A, %slice3A_9 : vector<64x512xf32>
    %get3A_15 = arith.constant 0 : index
    %get3A_16 = arith.constant 0 : index
    %get3A_17 = vector.load %arg2[%get3A_15, %get3A_16] : memref<64x1xf32, #tpu.memory_space<vmem>>, vector<64x1xf32>
    %add3A_18 = vector.broadcast %get3A_17 : vector<64x1xf32> to vector<64x512xf32>
    %add3A_19 = arith.addf %add3A, %add3A_18 : vector<64x512xf32>
    %swap3A_20 = arith.constant 0 : index
    %swap3A_21 = arith.constant 0 : index
    %swap3A_22 = vector.load %arg4[%swap3A_20, %swap3A_21] : memref<64x512xf32, #tpu.memory_space<vmem>>, vector<64x512xf32>
    tpu.vector_store %arg4[%swap3A_20, %swap3A_21], %add3A_19 {strides = array<i32>} : memref<64x512xf32, #tpu.memory_space<vmem>>, vector<64x512xf32>,
    %add3A_23 = arith.addf %slice3A_8, %concatenate3A_14 : vector<64x512xf32>
    %get3A_24 = arith.constant 0 : index
    %get3A_25 = arith.constant 0 : index
    %get3A_26 = vector.load %arg2[%get3A_24, %get3A_25] : memref<64x1xf32, #tpu.memory_space<vmem>>, vector<64x1xf32>
    %add3A_27 = vector.broadcast %get3A_26 : vector<64x1xf32> to vector<64x512xf32>
    %add3A_28 = arith.addf %add3A_23, %add3A_27 : vector<64x512xf32>
    %swap3A_29 = arith.constant 0 : index
    %swap3A_30 = arith.constant 0 : index
    %swap3A_31 = vector.load %arg5[%swap3A_29, %swap3A_30] : memref<64x512xf32, #tpu.memory_space<vmem>>, vector<64x512xf32>
    tpu.vector_store %arg5[%swap3A_29, %swap3A_30], %add3A_28 {strides = array<i32>} : memref<64x512xf32, #tpu.memory_space<vmem>>, vector<64x512xf32>,
    return
  }
}

</mosaic_0001>

<sc_bundles>
// kernel: kernel.5.cloned.1.call-start
scs
__scs_entry_jumppad:
0x0: {  	(pc) =	sbr.rel $0x88, $3  }
0x1: {  	(tag) =	ssettag $0x0;
	lr =	simm.s32 $0x1  }
0x2: {  	[smem:$0x3F9B] =	sst lr;
	_ =	strace $0xD0000000  }
0x3: {  	_ = 	snop  }
0x4: {  	_ = 	snop  }
0x5: {  	_ = 	snop  }
0x6: {  	_ = 	snop  }
0x7: {  	_ = 	snop  }
__scs_overlays_trampoline_lowered:
0x8: {  	[smem:$0x3FAA] =	sst s0  }
0x9: {  	[smem:$0x3FAB] =	sst s1  }
0xa: {  	[smem:$0x3FAC] =	sst s2  }
0xb: {  	[smem:$0x3FAD] =	sst s3  }
0xc: {  	[smem:$0x3FAE] =	sst s4  }
0xd: {  	[smem:$0x3FAF] =	sst s5  }
0xe: {  	[smem:$0x3FB0] =	sst s6  }
0xf: {  	[smem:$0x3FB1] =	sst s7  }
0x10: {  	[smem:$0x3FB2] =	sst s8  }
0x11: {  	[smem:$0x3FB3] =	sst s9;
	s0 =	simm.s32 @!p0 $0x0  }
0x12: {  	s1 =	sld [smem:$0x3F99];
	s0 =	simm.s32 @p0 $0x1  }
0x13: {  	[smem:$0x3FB4] =	sst s0;
	s0 =	simm.s32 @!p1 $0x0  }
0x14: {  	s2 =	sld [smem:$0x3F98];
	s0 =	simm.s32 @p1 $0x1  }
0x15: {  	[smem:$0x3FB5] =	sst s0;
	s0 =	simm.s32 @!p2 $0x0  }
0x16: {  	s3 =	sld [smem:$0x3FDB];
	s0 =	simm.s32 @p2 $0x1  }
0x17: {  	s4 =	simm.s32 $0x1BF5;
	[smem:$0x3FB7] =	sst s0  }
0x18: {  	s0 =	sld [smem:$0x3F9A];
	_ =	swait.ge [sflag:s4], $0x0  }
0x19: {  	s7 =	sld [smem:$0x3F9B]  }
0x1a: {  	s8 =	sadd.s32 $0xFFFFE003, lr  }
0x1b: {  	s9 =	sadd.s32 $0xFFFFFEF7, lr;
	s5 =	simm.s32 $0xFFFFFFFF;
	p2 =	slt.u32 s8, $0xFFFFF086  }
0x1c: {  	p1 =	slt.u32 s9, $0xF7A;
	s5 =	simm.s32 @!p2 $0x0  }
0x1d: {  	s5 =	simm.s32 @p1 $0x1;
	p0 =	seq.s32 s7, s2  }
0x1e: {  	s7 =	smul.u32 @!p0 $0xF7A, s2;
	p2 =	seq.s32 @!p0 s5, $0x0  }
0x1f: {  	s9 =	smul.u32 $0xF7A, s1;
	s8 =	simm.s32 @!p0 $0x1BF5;
	p2 =	por !p2, p0  }
0x20: {  	[sflag:s8] =	ssyncset.s32 @!p0 $0xFFFFF086;
	s6 =	sadd.s32 @!p0 s3, s7;
	s7 =	simm.s32 @!p0 $0x108  }
0x21: {  	s3 =	sadd.s32 s3, s9;
	s6 =	sadd.s32 @!p0 $0x88, s6;
	s7 =	simm.s32 @p2 $0x1082  }
0x22: {  	[simem:s7], [sflag:s8] =	dma.local @!p0 [hbm:s6], $0xF7A  }
0x23: {  	s9 =	sor.u32 $0xD0000000, s2;
	s6 =	simm.s32 $0x108;
	_ =	swait.ge @!p0 [sflag:s8], $0x0  }
0x24: {  	s3 =	sadd.s32 $0x88, s3;
	s6 =	simm.s32 @!p1 $0x1082;
	[sflag:s4] =	ssyncset.s32 $0xFFFFF086  }
0x25: {  	[simem:s6], [sflag:s4] =	dma.local [hbm:s3], $0xF7A  }
0x26: {  	[smem:$0x3F9B] =	sst s1;
	(tag) =	ssettag s2;
	_ =	strace s9  }
0x27: {  	s1 =	sld [smem:$0x3FAB]  }
0x28: {  	s2 =	sld [smem:$0x3FAC]  }
0x29: {  	s4 =	sld [smem:$0x3FAE]  }
0x2a: {  	p0 =	seq.s32 s5, $0x0;
	s5 =	sld [smem:$0x3FAF]  }
0x2b: {  	s6 =	sld [smem:$0x3FB0]  }
0x2c: {  	s7 =	sld [smem:$0x3FB1]  }
0x2d: {  	s3 =	simm.s32 $0x108;
	s8 =	sld [smem:$0x3FB2]  }
0x2e: {  	s3 =	simm.s32 @!p0 $0x1082;
	s9 =	sld [smem:$0x3FB3]  }
0x2f: {  	lr =	sadd.s32 s0, s3;
	s0 =	sld [smem:$0x3FAA]  }
0x30: {  	s3 =	sld [smem:$0x3FAD]  }
0x31: {  	[smem:$0x3FB6] =	sst s10  }
0x32: {  	s10 =	sld [smem:$0x3FB4];
	_ =	sdelay $0x3  }
0x33: {  	p0 =	seq.s32 s10, $0x1;
	s10 =	sld [smem:$0x3FB6];
	_ =	sdelay $0x3  }
0x34: {  	[smem:$0x3FB6] =	sst s10  }
0x35: {  	s10 =	sld [smem:$0x3FB5];
	_ =	sdelay $0x3  }
0x36: {  	p1 =	seq.s32 s10, $0x1;
	s10 =	sld [smem:$0x3FB6];
	_ =	sdelay $0x3  }
0x37: {  	[smem:$0x3FB6] =	sst s10  }
0x38: {  	s10 =	sld [smem:$0x3FB7]  }
0x39: {  	_ = 	snop;
	(pc) =	sbr.ind lr, $3  }
0x3a: {  	_ = 	snop  }
0x3b: {  	_ = 	snop  }
0x3c: {  	p2 =	seq.s32 s10, $0x1;
	s10 =	sld [smem:$0x3FB6]  }
0x3d: {  	_ =	shalt  }
0x3e: {  	_ =	shalt  }
0x3f: {  	_ =	shalt  }
0x40: {  	_ =	shalt  }
0x41: {  	_ =	shalt  }
0x42: {  	_ =	shalt  }
0x43: {  	_ =	shalt  }
0x44: {  	_ =	shalt  }
0x45: {  	_ =	shalt  }
0x46: {  	_ =	shalt  }
0x47: {  	_ =	shalt  }
0x48: {  	_ =	shalt  }
0x49: {  	_ =	shalt  }
0x4a: {  	_ =	shalt  }
0x4b: {  	_ =	shalt  }
0x4c: {  	_ =	shalt  }
0x4d: {  	_ =	shalt  }
0x4e: {  	_ =	shalt  }
0x4f: {  	_ =	shalt  }
0x50: {  	_ =	shalt  }
0x51: {  	_ =	shalt  }
0x52: {  	_ =	shalt  }
0x53: {  	_ =	shalt  }
0x54: {  	_ =	shalt  }
0x55: {  	_ =	shalt  }
0x56: {  	_ =	shalt  }
0x57: {  	_ =	shalt  }
0x58: {  	_ =	shalt  }
0x59: {  	_ =	shalt  }
0x5a: {  	_ =	shalt  }
0x5b: {  	_ =	shalt  }
0x5c: {  	_ =	shalt  }
0x5d: {  	_ =	shalt  }
0x5e: {  	_ =	shalt  }
0x5f: {  	_ =	shalt  }
0x60: {  	_ =	shalt  }
0x61: {  	_ =	shalt  }
0x62: {  	_ =	shalt  }
0x63: {  	_ =	shalt  }
0x64: {  	_ =	shalt  }
0x65: {  	_ =	shalt  }
0x66: {  	_ =	shalt  }
0x67: {  	_ =	shalt  }
0x68: {  	_ =	shalt  }
0x69: {  	_ =	shalt  }
0x6a: {  	_ =	shalt  }
0x6b: {  	_ =	shalt  }
0x6c: {  	_ =	shalt  }
0x6d: {  	_ =	shalt  }
0x6e: {  	_ =	shalt  }
0x6f: {  	_ =	shalt  }
0x70: {  	_ =	shalt  }
0x71: {  	_ =	shalt  }
0x72: {  	_ =	shalt  }
0x73: {  	_ =	shalt  }
0x74: {  	_ =	shalt  }
0x75: {  	_ =	shalt  }
0x76: {  	_ =	shalt  }
0x77: {  	_ =	shalt  }
0x78: {  	_ =	shalt  }
0x79: {  	_ =	shalt  }
0x7a: {  	_ =	shalt  }
0x7b: {  	_ =	shalt  }
0x7c: {  	_ =	shalt  }
0x7d: {  	_ =	shalt  }
0x7e: {  	_ =	shalt  }
0x7f: {  	_ =	shalt  }
0x80: {  	_ =	shalt  }
0x81: {  	_ =	shalt  }
0x82: {  	_ =	shalt  }
0x83: {  	_ =	shalt  }
0x84: {  	_ =	shalt  }
0x85: {  	_ =	shalt  }
0x86: {  	_ =	shalt  }
0x87: {  	_ =	shalt  }
.Lfunc_end0:
.L_simem_size_0:
called_computation_lowered:
.L_overlay_start_0:
0x88: {  	s2 =	sld [smem:$0x3FD9]  }
0x89: {  	s3 =	sld [smem:$0x3FFE];
	_ =	sdelay $0x1  }
0x8a: {  	s1 =	srdreg.scid  }
0x8b: {  	s0 =	sand.u32 $0x1, s1  }
0x8c: {  	s14 =	sshll.u32 s0, $0xA;
	s2 =	sadd.s32 s3, s2  }
0x8d: {  	s2 =	sadd.s32 s2, s14  }
0x8e: {  	[smem:$0x3FC2] =	sst s2  }
0x8f: {  	_ = 	snop  }
0x90: {  	s2 =	sld [smem:$0x3FD0];
	_ =	sdelay $0x2  }
0x91: {  	s15 =	simm.s32 $0xA;
	s4 =	simm.s32 $0x10  }
0x92: {  	[smem:s4], [sflag:s15] =	dma.local [hbm:s2], $0x1  }
0x93: {  	_ =	swait.eq [sflag:s15], $0x1  }
0x94: {  	[sflag:s15] =	ssyncset.done $0x0  }
0x95: {  	s16 =	sld [smem:$0x10];
	[sflag:s15] =	ssyncadd.s32 $0xFFFFFFFF  }
0x96: {  	s17 =	sld [smem:$0x13];
	(tm) =	ssettm $0x1  }
0x97: {  	s18 =	sld [smem:$0x3FFB];
	_ =	sdelay $0x3  }
0x98: {  	_ =	strace s18  }
0x99: {  	s4 =	sld [smem:$0x3FFC];
	_ =	sdelay $0x3  }
0x9a: {  	_ =	strace s4  }
0x9b: {  	s4 =	sld [smem:$0x3FFD];
	_ =	sdelay $0x3  }
0x9c: {  	_ =	strace s4  }
0x9d: {  	_ =	strace $0x8FFFFFFF  }
0x9e: {  	s19 =	sld [smem:$0x3FDB];
	_ =	sdelay $0x1  }
0x9f: {  	s5 =	simm.s32 $_scs_section_size  }
0xa0: {  	s6 =	simm.s32 $_size__tile_overlayer_lowered;
	s7 =	simm.s32 $_tile_overlayer_lowered  }
0xa1: {  	s22 =	simm.s32 $0x1BFF;
	s21 =	sshll.u32 s7, $0x1;
	s4 =	sadd.s32 s5, s19  }
0xa2: {  	s8 =	simm.s32 $0x0;
	s20 =	sshll.u32 s6, $0x1;
	s6 =	sadd.s32 s21, s4  }
0xa3: {  	[timem:s8], [sflag:s22] =	dma.local [hbm:s6], s20  }
0xa4: {  	_ =	swait.ge [sflag:s22], s20  }
0xa5: {  	s5 =	ssub.s32 $0x0, s20;
	[sflag:s22] =	ssyncset.done $0x0  }
0xa6: {  	[sflag:s22] =	ssyncadd.s32 s5;
	_ =	sdelay $0x1  }
0xa7: {  	s23 =	simm.s32 $0x1B8B  }
0xa8: {  	_ =	swait.ge [sflag:s23], $0x1  }
0xa9: {  	[sflag:s23] =	ssyncset.done $0x0  }
0xaa: {  	s25 =	simm.s32 $0x1B8E;
	s24 =	sld [smem:$0x3FFE];
	[sflag:s23] =	ssyncadd.s32 $0xFFFFFFFF  }
0xab: {  	s26 =	simm.s32 $execute0_lowered;
	[smem:$0x3FD2] =	sst s25  }
0xac: {  	s6 =	sshll.u32 s26, $0x1;
	_ =	strace $0x80000046;
	[dreg:$0x1] =	wrdreg $0xFFFFFFFF  }
0xad: {  	s28 =	simm.s32 $_size_execute0_lowered;
	s4 =	sadd.s32 s4, s6;
	[dreg:$0x0] =	wrdreg $0x0  }
0xae: {  	s6 =	sshll.u32 s28, $0x1;
	[dreg:$0x2] =	wrdreg s4  }
0xaf: {  	[dreg:$0x3] =	wrdreg s6  }
0xb0: {  	[dreg:$0x4] =	wrdreg $0xC0  }
0xb1: {  	_ =	task [dreg:s8], $0x5FFFF  }
0xb2: {  	[dreg:$0x1] =	wrdreg $0xFFFFFFFF  }
0xb3: {  	[dreg:$0x0] =	wrdreg $0x60  }
0xb4: {  	[dreg:$0x2] =	wrdreg s24  }
0xb5: {  	[dreg:$0x3] =	wrdreg s17  }
0xb6: {  	[dreg:$0x4] =	wrdreg s16  }
0xb7: {  	[dreg:$0x5] =	wrdreg $0x9  }
0xb8: {  	_ =	task.clear_ibuf [dreg:s8], $0x6FFFF;
	_ =	strace $0x90000046  }
0xb9: {  	s29 =	simm.s32 $0x9;
	_ =	strace $0x80000048  }
0xba: {  	_ =	swait.ge [sflag:s29], $0x1  }
0xbb: {  	[sflag:s29] =	ssyncadd.s32 $0xFFFFFFFF  }
0xbc: {  	_ =	strace $0x90000048  }
0xbd: {  	_ =	sfence  }
0xbe: {  	s30 =	sld [smem:$0x0];
	_ =	sdelay $0x2  }
0xbf: {  	s31 =	sshll.u32 s1, $0xD;
	s1 =	sshrl.u32 s1, $0x2  }
0xc0: {  	s3 =	sand.u32 $0x4000, s31;
	s1 =	sadd.s32 s1, s30  }
0xc1: {  	s0 =	sor.u32 s3, s0;
	s1 =	sshll.u32 s1, $0x11  }
0xc2: {  	s0 =	sor.u32 s1, s0  }
0xc3: {  	s0 =	sadd.s32 $0x8F2B, s0  }
0xc4: {  	[sflag:s0] =	ssyncadd.remote.s32 $0x1  }
0xc5: {  	_ =	sfence.sel $0xFFFF  }
0xc6: {  	[dreg:$0x0] =	wrdreg $0xFFFFFFFF;
	(pc) =	sbr.abs _section_cstart, $3  }
0xc7: {  	[dreg:$0x1] =	wrdreg $0xFFFFFFFF  }
0xc8: {  	_ =	task.clear_ibuf [dreg:s8], $0x2FFFF;
	_ =	strace $0x9FFFFFFF  }
0xc9: {  	(tm) =	ssettm $0x7FFFFFFF  }
tec
execute0_lowered:
.L_overlay_start_1:
0x0: {  	(tag) =	ssettag $0x1  }
0x1: {  	s5 =	rddreg [dreg:$0x0]  }
0x2: {  	s1 =	srdreg.scid;
	s3 =	rddreg [dreg:$0x1]  }
0x3: {  	s0 =	stileid.u32;
	s9 =	rddreg [dreg:$0x2];
	s6 =	sand.u32 $0x1, s1  }
0x4: {  	s2 =	simm.s32 $0x0;
	s4 =	sshll.u32 s0, $0x5;
	s7 =	sshll.u32 s6, $0x4  }
0x5: {  	s8 =	simm.s32 $0x1;
	[smem:$0x7FF] =	sst s2;
	s10 =	sor.u32 s7, s4  }
0x6: {  	s1 =	rddreg [dreg:$0x3];
	_ =	strace $0x80000047;
	s4 =	sshrl.u32 s10, $0x3  }
0x7: {  	s11 =	ssub.s32 $0x2, s6;
	s4 =	sadd.s32 s3, s4;
	s3 =	simm.s32 $0x2  }
0x8: {  	[tilespmem:s2], [sflag:$0x2] =	stream.linear.gather [hbm4b:s4+s2], $0x10, $0x38;
	[tilespmem:$0x880] =	vst v63  }
0x9: {  	s5 =	sadd.s32 $0x1400, s5;
	s12 =	sshrl.u32 s11, $0x1;
	_ =	swait.ge [sflag:s3], $0x10  }
0xa: {  	s6 =	simm.s32 $0x10;
	s11 =	ssub.s32 s11, s12;
	[sflag:s3] =	ssyncset.done $0x0  }
0xb: {  	s7 =	simm.s32 $0x80;
	s31 =	smax.u32 s11, $0x1;
	[sflag:s3] =	ssyncadd.s32 $0xFFFFFFF0  }
0xc: {  	[tilespmem:s7], [sflag:$0x1] =	stream.indirect.gather [hbm4b:s5+s6], $0x80, s2, s6, $0xb8;
	[tilespmem:$0x880] =	vst v63  }
0xd: {  	p0 =	sne.s32 s31, $0x1;
	_ =	swait.ge [sflag:s8], $0x800  }
.Ltmp0:
0xe: {  	s10 =	sshll.u32 s10, $0x4;
	[sflag:s8] =	ssyncset.done $0x0;
	(pc) =	sbr.rel @!p0 .LBB2_2-.Ltmp0, $4  }
0xf: {  	s9 =	sadd.s32 s9, s10;
	[sflag:s8] =	ssyncadd.s32 $0xFFFFF800  }
0x10: {  	[hbm4b:s9+s2] =	stream.linear.scatter [tilespmem:s7], [sflag:$0x2], $0x800, $0x38;
	[tilespmem:$0x880] =	vst v63  }
0x11: {  	_ =	swait.ge [sflag:s3], $0x800  }
0x12: {  	s10 =	sadd.s32 $0xFFFFFFFF, s31;
	[sflag:s3] =	ssyncset.done $0x0  }
.LBB2_1:
0x13: {  	p0 =	sne.s32 s10, $0x1;
	s10 =	sadd.s32 $0xFFFFFFFF, s10;
	[sflag:s3] =	ssyncadd.s32 $0xFFFFF800  }
0x14: {  	[tilespmem:s2], [sflag:$0x2] =	stream.linear.gather [hbm4b:s4+s2], $0x10, $0x38;
	[tilespmem:$0x880] =	vst v63  }
0x15: {  	_ =	swait.ge [sflag:s3], $0x10  }
0x16: {  	[sflag:s3] =	ssyncset.done $0x0  }
0x17: {  	[sflag:s3] =	ssyncadd.s32 $0xFFFFFFF0  }
0x18: {  	[tilespmem:s7], [sflag:$0x1] =	stream.indirect.gather [hbm4b:s5+s6], $0x80, s2, s6, $0xb8;
	[tilespmem:$0x880] =	vst v63  }
0x19: {  	_ =	swait.ge [sflag:s8], $0x800  }
.Ltmp1:
0x1a: {  	[sflag:s8] =	ssyncset.done $0x0;
	(pc) =	sbr.rel @p0 .LBB2_1-.Ltmp1, $4  }
0x1b: {  	[sflag:s8] =	ssyncadd.s32 $0xFFFFF800  }
0x1c: {  	[hbm4b:s9+s2] =	stream.linear.scatter [tilespmem:s7], [sflag:$0x2], $0x800, $0x38;
	[tilespmem:$0x880] =	vst v63  }
0x1d: {  	_ =	swait.ge [sflag:s3], $0x800  }
0x1e: {  	[sflag:s3] =	ssyncset.done $0x0  }
.LBB2_2:
0x1f: {  	[sflag:s3] =	ssyncadd.s32 $0xFFFFF800  }
0x20: {  	_ =	sfence.sel $0x180000  }
0x21: {  	[bflag:$0x0] =	sbarrier.arrive $0xFFFF  }
0x22: {  	p0 =	sne.s32 s0, $0x0;
	_ =	strace $0x90000047  }
0x23: {  	s0 =	sadd.s32 @!p0 $0x100000, s1;
	[bflag:$0x2] =	sbarrier.arrive $0xFFFF  }
0x24: {  	[sflag:s0] =	ssyncadd.tile.s32 @!p0 $0x1;
	_ =	shalt  }
.Lfunc_end2:
_tile_overlayer_lowered:
.L_overlay_start_2:
0x25: {  	(tag) =	ssettag $0x2  }
0x26: {  	s0 =	rddreg [dreg:$0x0];
	s2 =	stileid.u32  }
0x27: {  	s1 =	rddreg [dreg:$0x1];
	p0 =	sne.s32 s2, $0x0  }
0x28: {  	s3 =	rddreg [dreg:$0x2];
	[bflag:$0x3] =	sbarrier.arrive $0xFFFF;
	s2 =	simm.s32 @!p0 $0x1C02  }
0x29: {  	[timem:s3], [sflag:s2] =	dma.local @!p0 [hbm:s0], s1  }
0x2a: {  	s0 =	simm.s32 @!p0 $0x2  }
0x2b: {  	_ =	swait.ge @!p0 [sflag:s0], s1  }
0x2c: {  	s1 =	ssub.s32 @!p0 $0x0, s1;
	[sflag:s0] =	ssyncset.done @!p0 $0x0  }
0x2d: {  	[sflag:s0] =	ssyncadd.s32 @!p0 s1  }
0x2e: {  	[bflag:$0x3] =	sbarrier.arrive $0xFFFF  }
0x2f: {  	_ =	shalt  }

</sc_bundles>
